<compile_context>
chip_gen: v7x
topology: tpu7x:2x2x1
jax: 0.10.2.dev20260603
libtpu: 0.0.44.dev20260713+nightly
codegen_flags: <defaults>
</compile_context>

<pallas_src>
import functools

import jax
import jax.numpy as jnp
from jax import lax
from jax.experimental import pallas as pl
from jax.experimental.pallas import tpu as pltpu
from jax.experimental.pallas import tpu_sc as plsc

_SEQ = 8192
_HID = 2048
_NC, _NS = 2, 16
_NW = _NC * _NS
_ROWS_PER_W = _SEQ // _NW
_CHUNK = 16
_N_CHUNKS = _ROWS_PER_W // _CHUNK


def _sc_copy(table_hbm, out_hbm, buf0, buf1, isem0, isem1, osem0, osem1):
    wid = lax.axis_index("s") * _NC + lax.axis_index("c")
    base = wid * _ROWS_PER_W
    bufs, isems, osems = (buf0, buf1), (isem0, isem1), (osem0, osem1)

    def in_copy(c, b):
        return pltpu.make_async_copy(
            table_hbm.at[pl.ds(base + c * _CHUNK, _CHUNK), :], bufs[b], isems[b])

    def out_copy(c, b):
        return pltpu.make_async_copy(
            bufs[b], out_hbm.at[pl.ds(base + c * _CHUNK, _CHUNK), :], osems[b])

    in_copy(0, 0).start()

    def step(i, carry):
        c = i * 2
        @pl.when(i > 0)
        def _():
            out_copy(c - 1, 1).wait()

        in_copy(c + 1, 1).start()
        in_copy(c, 0).wait()
        out_copy(c, 0).start()

        @pl.when(i < _N_CHUNKS // 2 - 1)
        def _():
            out_copy(c, 0).wait()
            in_copy(c + 2, 0).start()

        in_copy(c + 1, 1).wait()
        out_copy(c + 1, 1).start()
        return carry

    lax.fori_loop(0, _N_CHUNKS // 2, step, 0)
    out_copy(_N_CHUNKS - 2, 0).wait()
    out_copy(_N_CHUNKS - 1, 1).wait()


_sc_kernel = functools.partial(
    pl.kernel,
    out_type=jax.ShapeDtypeStruct((_SEQ, _HID), jnp.float32),
    mesh=plsc.VectorSubcoreMesh(core_axis_name="c", subcore_axis_name="s"),
    scratch_types=[
        pltpu.VMEM((_CHUNK, _HID), jnp.float32),
        pltpu.VMEM((_CHUNK, _HID), jnp.float32),
        pltpu.SemaphoreType.DMA,
        pltpu.SemaphoreType.DMA,
        pltpu.SemaphoreType.DMA,
        pltpu.SemaphoreType.DMA,
    ],
)(_sc_copy)


def kernel(input_ids, pos_table):
    del input_ids
    out = _sc_kernel(pos_table)
    return out.reshape(1, _SEQ, _HID)

# --- scband reference (transcript-rebuilt; emitter-appended) ---
"""Pipeline reference for scband-positional-embeddings-48198122996370 (READ-ONLY COPY).

The authoritative reference and input builder live on the scoring server;
editing this copy changes nothing except your own understanding.
"""

import jax, jax.numpy as jnp
import numpy as np

SEQ_LEN = 8192
HIDDEN_SIZE = 2048

def setup_inputs(seed: int = 0) -> dict:
    key = jax.random.key(seed)
    k1, k2 = jax.random.split(key)
    input_ids = jax.random.randint(k1, (4, 8192), 0, SEQ_LEN, dtype=jnp.int64 if jax.config.jax_enable_x64 else jnp.int32)
    pos_table = jax.random.normal(k2, (SEQ_LEN, HIDDEN_SIZE), dtype=jnp.float32)
    return {"input_ids": input_ids, "pos_table": pos_table}

def reference(input_ids, pos_table):
    seq_length = input_ids.shape[1]
    position_ids = jnp.arange(seq_length, dtype=jnp.int32)[None, :]  # (1, S)
    position_embeddings = jnp.take(pos_table, position_ids, axis=0)  # (1, S, H)
    return position_embeddings

if __name__ == "__main__":
    import jax
    _d = setup_inputs()
    print(jax.jit(kernel)(*tuple(_d.values())))

</pallas_src>

<mosaic_0001>
#map = affine_map<(d0, d1) -> (0, 0)>
module attributes {stable_mosaic.version = 14 : i64} {
  func.func @_sc_copy(%arg0: i32, %arg1: i32, %arg2: memref<8192x2048xf32, #tpu.memory_space<hbm>>, %arg3: memref<8192x2048xf32, #tpu.memory_space<hbm>>, %arg4: memref<16x2048xf32, #tpu.memory_space<vmem>>, %arg5: memref<16x2048xf32, #tpu.memory_space<vmem>>, %arg6: memref<!tpu.dma_semaphore, #tpu.memory_space<semaphore_mem>>, %arg7: memref<!tpu.dma_semaphore, #tpu.memory_space<semaphore_mem>>, %arg8: memref<!tpu.dma_semaphore, #tpu.memory_space<semaphore_mem>>, %arg9: memref<!tpu.dma_semaphore, #tpu.memory_space<semaphore_mem>>) attributes {dimension_semantics = [#tpu.dimension_semantics<core_parallel>, #tpu.dimension_semantics<subcore_parallel>], iteration_bounds = array<i64: 2, 16>, scalar_prefetch = 0 : i64, scratch_operands = 6 : i64, tpu.core_type = #tpu.core_type<sc_vector_subcore>, window_params = [{transform_indices = #map}, {transform_indices = #map}]} {
    %mul3A = arith.constant 2 : i32
    %mul3A_0 = arith.muli %arg1, %mul3A : i32
    %add3A = arith.addi %mul3A_0, %arg0 : i32
    %mul3A_1 = arith.constant 256 : i32
    %mul3A_2 = arith.muli %add3A, %mul3A_1 : i32
    %add3A_3 = arith.constant 0 : i32
    %add3A_4 = arith.addi %mul3A_2, %add3A_3 : i32
    %dma_start3A = arith.constant 0 : i32
    %dma_start3A_5 = tpu.memref_slice %arg2[%add3A_4, %dma_start3A] : memref<8192x2048xf32, #tpu.memory_space<hbm>> -> memref<16x2048xf32, #tpu.memory_space<hbm>>
    %dma_start3A_6 = arith.constant 0 : i32
    %dma_start3A_7 = tpu.memref_slice %arg2[%add3A_4, %dma_start3A_6] : memref<8192x2048xf32, #tpu.memory_space<hbm>> -> memref<16x2048xf32, #tpu.memory_space<hbm>>
    tpu.enqueue_dma source(%dma_start3A_7 : memref<16x2048xf32, #tpu.memory_space<hbm>>) target(%arg4 : memref<16x2048xf32, #tpu.memory_space<vmem>>) target_semaphore(%arg6 : memref<!tpu.dma_semaphore, #tpu.memory_space<semaphore_mem>>)
    %scan3A = arith.constant 0 : i32
    %scan3A_8 = arith.constant 0 : i32
    %scan3A_9 = arith.constant 8 : i32
    %scan3A_10 = arith.addi %scan3A_8, %scan3A_9 : i32
    %scan3A_11 = arith.constant 1 : i32
    scf.for %scan3A_24 = %scan3A_8 to %scan3A_10 step %scan3A_11  : i32 {
      %mul3A_25 = arith.constant 2 : i32
      %mul3A_26 = arith.muli %scan3A_24, %mul3A_25 : i32
      %gt3A = arith.constant 0 : i32
      %gt3A_27 = arith.cmpi sgt, %scan3A_24, %gt3A : i32
      %convert_element_type3A = arith.extui %gt3A_27 : i1 to i32
      %cond3A = arith.constant 0 : i32
      %cond3A_28 = arith.cmpi ne, %convert_element_type3A, %cond3A : i32
      scf.if %cond3A_28 {
        %sub3A = arith.constant 1 : i32
        %sub3A_74 = arith.subi %mul3A_26, %sub3A : i32
        %mul3A_75 = arith.constant 16 : i32
        %mul3A_76 = arith.muli %sub3A_74, %mul3A_75 : i32
        %add3A_77 = arith.addi %mul3A_2, %mul3A_76 : i32
        %dma_wait3A_78 = arith.constant 0 : i32
        %dma_wait3A_79 = tpu.memref_slice %arg3[%add3A_77, %dma_wait3A_78] : memref<8192x2048xf32, #tpu.memory_space<hbm>> -> memref<16x2048xf32, #tpu.memory_space<hbm>>
        %dma_wait3A_80 = arith.constant 0 : i32
        %dma_wait3A_81 = tpu.memref_slice %arg3[%add3A_77, %dma_wait3A_80] : memref<8192x2048xf32, #tpu.memory_space<hbm>> -> memref<16x2048xf32, #tpu.memory_space<hbm>>
        tpu.wait_dma2 semaphore(%arg9 : memref<!tpu.dma_semaphore, #tpu.memory_space<semaphore_mem>>) src(%arg5 : memref<16x2048xf32, #tpu.memory_space<vmem>>) dst(%dma_wait3A_81 : memref<16x2048xf32, #tpu.memory_space<hbm>>)
      } else {
      }
      %add3A_29 = arith.constant 1 : i32
      %add3A_30 = arith.addi %mul3A_26, %add3A_29 : i32
      %mul3A_31 = arith.constant 16 : i32
      %mul3A_32 = arith.muli %add3A_30, %mul3A_31 : i32
      %add3A_33 = arith.addi %mul3A_2, %mul3A_32 : i32
      %dma_start3A_34 = arith.constant 0 : i32
      %dma_start3A_35 = tpu.memref_slice %arg2[%add3A_33, %dma_start3A_34] : memref<8192x2048xf32, #tpu.memory_space<hbm>> -> memref<16x2048xf32, #tpu.memory_space<hbm>>
      %dma_start3A_36 = arith.constant 0 : i32
      %dma_start3A_37 = tpu.memref_slice %arg2[%add3A_33, %dma_start3A_36] : memref<8192x2048xf32, #tpu.memory_space<hbm>> -> memref<16x2048xf32, #tpu.memory_space<hbm>>
      tpu.enqueue_dma source(%dma_start3A_37 : memref<16x2048xf32, #tpu.memory_space<hbm>>) target(%arg5 : memref<16x2048xf32, #tpu.memory_space<vmem>>) target_semaphore(%arg7 : memref<!tpu.dma_semaphore, #tpu.memory_space<semaphore_mem>>)
      %mul3A_38 = arith.constant 16 : i32
      %mul3A_39 = arith.muli %mul3A_26, %mul3A_38 : i32
      %add3A_40 = arith.addi %mul3A_2, %mul3A_39 : i32
      %dma_wait3A_41 = arith.constant 0 : i32
      %dma_wait3A_42 = tpu.memref_slice %arg2[%add3A_40, %dma_wait3A_41] : memref<8192x2048xf32, #tpu.memory_space<hbm>> -> memref<16x2048xf32, #tpu.memory_space<hbm>>
      %dma_wait3A_43 = arith.constant 0 : i32
      %dma_wait3A_44 = tpu.memref_slice %arg2[%add3A_40, %dma_wait3A_43] : memref<8192x2048xf32, #tpu.memory_space<hbm>> -> memref<16x2048xf32, #tpu.memory_space<hbm>>
      tpu.wait_dma2 semaphore(%arg6 : memref<!tpu.dma_semaphore, #tpu.memory_space<semaphore_mem>>) src(%dma_wait3A_44 : memref<16x2048xf32, #tpu.memory_space<hbm>>) dst(%arg4 : memref<16x2048xf32, #tpu.memory_space<vmem>>)
      %mul3A_45 = arith.constant 16 : i32
      %mul3A_46 = arith.muli %mul3A_26, %mul3A_45 : i32
      %add3A_47 = arith.addi %mul3A_2, %mul3A_46 : i32
      %dma_start3A_48 = arith.constant 0 : i32
      %dma_start3A_49 = tpu.memref_slice %arg3[%add3A_47, %dma_start3A_48] : memref<8192x2048xf32, #tpu.memory_space<hbm>> -> memref<16x2048xf32, #tpu.memory_space<hbm>>
      %dma_start3A_50 = arith.constant 0 : i32
      %dma_start3A_51 = tpu.memref_slice %arg3[%add3A_47, %dma_start3A_50] : memref<8192x2048xf32, #tpu.memory_space<hbm>> -> memref<16x2048xf32, #tpu.memory_space<hbm>>
      tpu.enqueue_dma source(%arg4 : memref<16x2048xf32, #tpu.memory_space<vmem>>) target(%dma_start3A_51 : memref<16x2048xf32, #tpu.memory_space<hbm>>) target_semaphore(%arg8 : memref<!tpu.dma_semaphore, #tpu.memory_space<semaphore_mem>>)
      %lt3A = arith.constant 7 : i32
      %lt3A_52 = arith.cmpi slt, %scan3A_24, %lt3A : i32
      %convert_element_type3A_53 = arith.extui %lt3A_52 : i1 to i32
      %cond3A_54 = arith.constant 0 : i32
      %cond3A_55 = arith.cmpi ne, %convert_element_type3A_53, %cond3A_54 : i32
      scf.if %cond3A_55 {
        %mul3A_74 = arith.constant 16 : i32
        %mul3A_75 = arith.muli %mul3A_26, %mul3A_74 : i32
        %add3A_76 = arith.addi %mul3A_2, %mul3A_75 : i32
        %dma_wait3A_77 = arith.constant 0 : i32
        %dma_wait3A_78 = tpu.memref_slice %arg3[%add3A_76, %dma_wait3A_77] : memref<8192x2048xf32, #tpu.memory_space<hbm>> -> memref<16x2048xf32, #tpu.memory_space<hbm>>
        %dma_wait3A_79 = arith.constant 0 : i32
        %dma_wait3A_80 = tpu.memref_slice %arg3[%add3A_76, %dma_wait3A_79] : memref<8192x2048xf32, #tpu.memory_space<hbm>> -> memref<16x2048xf32, #tpu.memory_space<hbm>>
        tpu.wait_dma2 semaphore(%arg8 : memref<!tpu.dma_semaphore, #tpu.memory_space<semaphore_mem>>) src(%arg4 : memref<16x2048xf32, #tpu.memory_space<vmem>>) dst(%dma_wait3A_80 : memref<16x2048xf32, #tpu.memory_space<hbm>>)
        %add3A_81 = arith.constant 2 : i32
        %add3A_82 = arith.addi %mul3A_26, %add3A_81 : i32
        %mul3A_83 = arith.constant 16 : i32
        %mul3A_84 = arith.muli %add3A_82, %mul3A_83 : i32
        %add3A_85 = arith.addi %mul3A_2, %mul3A_84 : i32
        %dma_start3A_86 = arith.constant 0 : i32
        %dma_start3A_87 = tpu.memref_slice %arg2[%add3A_85, %dma_start3A_86] : memref<8192x2048xf32, #tpu.memory_space<hbm>> -> memref<16x2048xf32, #tpu.memory_space<hbm>>
        %dma_start3A_88 = arith.constant 0 : i32
        %dma_start3A_89 = tpu.memref_slice %arg2[%add3A_85, %dma_start3A_88] : memref<8192x2048xf32, #tpu.memory_space<hbm>> -> memref<16x2048xf32, #tpu.memory_space<hbm>>
        tpu.enqueue_dma source(%dma_start3A_89 : memref<16x2048xf32, #tpu.memory_space<hbm>>) target(%arg4 : memref<16x2048xf32, #tpu.memory_space<vmem>>) target_semaphore(%arg6 : memref<!tpu.dma_semaphore, #tpu.memory_space<semaphore_mem>>)
      } else {
      }
      %add3A_56 = arith.constant 1 : i32
      %add3A_57 = arith.addi %mul3A_26, %add3A_56 : i32
      %mul3A_58 = arith.constant 16 : i32
      %mul3A_59 = arith.muli %add3A_57, %mul3A_58 : i32
      %add3A_60 = arith.addi %mul3A_2, %mul3A_59 : i32
      %dma_wait3A_61 = arith.constant 0 : i32
      %dma_wait3A_62 = tpu.memref_slice %arg2[%add3A_60, %dma_wait3A_61] : memref<8192x2048xf32, #tpu.memory_space<hbm>> -> memref<16x2048xf32, #tpu.memory_space<hbm>>
      %dma_wait3A_63 = arith.constant 0 : i32
      %dma_wait3A_64 = tpu.memref_slice %arg2[%add3A_60, %dma_wait3A_63] : memref<8192x2048xf32, #tpu.memory_space<hbm>> -> memref<16x2048xf32, #tpu.memory_space<hbm>>
      tpu.wait_dma2 semaphore(%arg7 : memref<!tpu.dma_semaphore, #tpu.memory_space<semaphore_mem>>) src(%dma_wait3A_64 : memref<16x2048xf32, #tpu.memory_space<hbm>>) dst(%arg5 : memref<16x2048xf32, #tpu.memory_space<vmem>>)
      %add3A_65 = arith.constant 1 : i32
      %add3A_66 = arith.addi %mul3A_26, %add3A_65 : i32
      %mul3A_67 = arith.constant 16 : i32
      %mul3A_68 = arith.muli %add3A_66, %mul3A_67 : i32
      %add3A_69 = arith.addi %mul3A_2, %mul3A_68 : i32
      %dma_start3A_70 = arith.constant 0 : i32
      %dma_start3A_71 = tpu.memref_slice %arg3[%add3A_69, %dma_start3A_70] : memref<8192x2048xf32, #tpu.memory_space<hbm>> -> memref<16x2048xf32, #tpu.memory_space<hbm>>
      %dma_start3A_72 = arith.constant 0 : i32
      %dma_start3A_73 = tpu.memref_slice %arg3[%add3A_69, %dma_start3A_72] : memref<8192x2048xf32, #tpu.memory_space<hbm>> -> memref<16x2048xf32, #tpu.memory_space<hbm>>
      tpu.enqueue_dma source(%arg5 : memref<16x2048xf32, #tpu.memory_space<vmem>>) target(%dma_start3A_73 : memref<16x2048xf32, #tpu.memory_space<hbm>>) target_semaphore(%arg9 : memref<!tpu.dma_semaphore, #tpu.memory_space<semaphore_mem>>)
    }
    %scan3A_12 = arith.constant 8 : i32
    %add3A_13 = arith.constant 224 : i32
    %add3A_14 = arith.addi %mul3A_2, %add3A_13 : i32
    %dma_wait3A = arith.constant 0 : i32
    %dma_wait3A_15 = tpu.memref_slice %arg3[%add3A_14, %dma_wait3A] : memref<8192x2048xf32, #tpu.memory_space<hbm>> -> memref<16x2048xf32, #tpu.memory_space<hbm>>
    %dma_wait3A_16 = arith.constant 0 : i32
    %dma_wait3A_17 = tpu.memref_slice %arg3[%add3A_14, %dma_wait3A_16] : memref<8192x2048xf32, #tpu.memory_space<hbm>> -> memref<16x2048xf32, #tpu.memory_space<hbm>>
    tpu.wait_dma2 semaphore(%arg8 : memref<!tpu.dma_semaphore, #tpu.memory_space<semaphore_mem>>) src(%arg4 : memref<16x2048xf32, #tpu.memory_space<vmem>>) dst(%dma_wait3A_17 : memref<16x2048xf32, #tpu.memory_space<hbm>>)
    %add3A_18 = arith.constant 240 : i32
    %add3A_19 = arith.addi %mul3A_2, %add3A_18 : i32
    %dma_wait3A_20 = arith.constant 0 : i32
    %dma_wait3A_21 = tpu.memref_slice %arg3[%add3A_19, %dma_wait3A_20] : memref<8192x2048xf32, #tpu.memory_space<hbm>> -> memref<16x2048xf32, #tpu.memory_space<hbm>>
    %dma_wait3A_22 = arith.constant 0 : i32
    %dma_wait3A_23 = tpu.memref_slice %arg3[%add3A_19, %dma_wait3A_22] : memref<8192x2048xf32, #tpu.memory_space<hbm>> -> memref<16x2048xf32, #tpu.memory_space<hbm>>
    tpu.wait_dma2 semaphore(%arg9 : memref<!tpu.dma_semaphore, #tpu.memory_space<semaphore_mem>>) src(%arg5 : memref<16x2048xf32, #tpu.memory_space<vmem>>) dst(%dma_wait3A_23 : memref<16x2048xf32, #tpu.memory_space<hbm>>)
    return
  }
}

</mosaic_0001>

<sc_bundles>
// kernel: kernel.3.cloned.1.call-start
scs
__scs_entry_jumppad:
0x0: {  	(pc) =	sbr.rel $0x88, $3  }
0x1: {  	(tag) =	ssettag $0x0;
	lr =	simm.s32 $0x1  }
0x2: {  	[smem:$0x3FA0] =	sst lr;
	_ =	strace $0xD0000000  }
0x3: {  	_ = 	snop  }
0x4: {  	_ = 	snop  }
0x5: {  	_ = 	snop  }
0x6: {  	_ = 	snop  }
0x7: {  	_ = 	snop  }
__scs_overlays_trampoline_lowered:
0x8: {  	[smem:$0x3FAF] =	sst s0  }
0x9: {  	[smem:$0x3FB0] =	sst s1  }
0xa: {  	[smem:$0x3FB1] =	sst s2  }
0xb: {  	[smem:$0x3FB2] =	sst s3  }
0xc: {  	[smem:$0x3FB3] =	sst s4  }
0xd: {  	[smem:$0x3FB4] =	sst s5  }
0xe: {  	[smem:$0x3FB5] =	sst s6  }
0xf: {  	[smem:$0x3FB6] =	sst s7  }
0x10: {  	[smem:$0x3FB7] =	sst s8  }
0x11: {  	[smem:$0x3FB8] =	sst s9;
	s0 =	simm.s32 @!p0 $0x0  }
0x12: {  	s1 =	sld [smem:$0x3F9E];
	s0 =	simm.s32 @p0 $0x1  }
0x13: {  	[smem:$0x3FB9] =	sst s0;
	s0 =	simm.s32 @!p1 $0x0  }
0x14: {  	s2 =	sld [smem:$0x3F9D];
	s0 =	simm.s32 @p1 $0x1  }
0x15: {  	[smem:$0x3FBA] =	sst s0;
	s0 =	simm.s32 @!p2 $0x0  }
0x16: {  	s3 =	sld [smem:$0x3FDB];
	s0 =	simm.s32 @p2 $0x1  }
0x17: {  	s4 =	simm.s32 $0x1BF5;
	[smem:$0x3FBC] =	sst s0  }
0x18: {  	s0 =	sld [smem:$0x3F9F];
	_ =	swait.ge [sflag:s4], $0x0  }
0x19: {  	s7 =	sld [smem:$0x3FA0]  }
0x1a: {  	s8 =	sadd.s32 $0xFFFFE003, lr  }
0x1b: {  	s9 =	sadd.s32 $0xFFFFFEF7, lr;
	s5 =	simm.s32 $0xFFFFFFFF;
	p2 =	slt.u32 s8, $0xFFFFF086  }
0x1c: {  	p1 =	slt.u32 s9, $0xF7A;
	s5 =	simm.s32 @!p2 $0x0  }
0x1d: {  	s5 =	simm.s32 @p1 $0x1;
	p0 =	seq.s32 s7, s2  }
0x1e: {  	s7 =	smul.u32 @!p0 $0xF7A, s2;
	p2 =	seq.s32 @!p0 s5, $0x0  }
0x1f: {  	s9 =	smul.u32 $0xF7A, s1;
	s8 =	simm.s32 @!p0 $0x1BF5;
	p2 =	por !p2, p0  }
0x20: {  	[sflag:s8] =	ssyncset.s32 @!p0 $0xFFFFF086;
	s6 =	sadd.s32 @!p0 s3, s7;
	s7 =	simm.s32 @!p0 $0x108  }
0x21: {  	s3 =	sadd.s32 s3, s9;
	s6 =	sadd.s32 @!p0 $0x88, s6;
	s7 =	simm.s32 @p2 $0x1082  }
0x22: {  	[simem:s7], [sflag:s8] =	dma.local @!p0 [hbm:s6], $0xF7A  }
0x23: {  	s9 =	sor.u32 $0xD0000000, s2;
	s6 =	simm.s32 $0x108;
	_ =	swait.ge @!p0 [sflag:s8], $0x0  }
0x24: {  	s3 =	sadd.s32 $0x88, s3;
	s6 =	simm.s32 @!p1 $0x1082;
	[sflag:s4] =	ssyncset.s32 $0xFFFFF086  }
0x25: {  	[simem:s6], [sflag:s4] =	dma.local [hbm:s3], $0xF7A  }
0x26: {  	[smem:$0x3FA0] =	sst s1;
	(tag) =	ssettag s2;
	_ =	strace s9  }
0x27: {  	s1 =	sld [smem:$0x3FB0]  }
0x28: {  	s2 =	sld [smem:$0x3FB1]  }
0x29: {  	s4 =	sld [smem:$0x3FB3]  }
0x2a: {  	p0 =	seq.s32 s5, $0x0;
	s5 =	sld [smem:$0x3FB4]  }
0x2b: {  	s6 =	sld [smem:$0x3FB5]  }
0x2c: {  	s7 =	sld [smem:$0x3FB6]  }
0x2d: {  	s3 =	simm.s32 $0x108;
	s8 =	sld [smem:$0x3FB7]  }
0x2e: {  	s3 =	simm.s32 @!p0 $0x1082;
	s9 =	sld [smem:$0x3FB8]  }
0x2f: {  	lr =	sadd.s32 s0, s3;
	s0 =	sld [smem:$0x3FAF]  }
0x30: {  	s3 =	sld [smem:$0x3FB2]  }
0x31: {  	[smem:$0x3FBB] =	sst s10  }
0x32: {  	s10 =	sld [smem:$0x3FB9];
	_ =	sdelay $0x3  }
0x33: {  	p0 =	seq.s32 s10, $0x1;
	s10 =	sld [smem:$0x3FBB];
	_ =	sdelay $0x3  }
0x34: {  	[smem:$0x3FBB] =	sst s10  }
0x35: {  	s10 =	sld [smem:$0x3FBA];
	_ =	sdelay $0x3  }
0x36: {  	p1 =	seq.s32 s10, $0x1;
	s10 =	sld [smem:$0x3FBB];
	_ =	sdelay $0x3  }
0x37: {  	[smem:$0x3FBB] =	sst s10  }
0x38: {  	s10 =	sld [smem:$0x3FBC]  }
0x39: {  	_ = 	snop;
	(pc) =	sbr.ind lr, $3  }
0x3a: {  	_ = 	snop  }
0x3b: {  	_ = 	snop  }
0x3c: {  	p2 =	seq.s32 s10, $0x1;
	s10 =	sld [smem:$0x3FBB]  }
0x3d: {  	_ =	shalt  }
0x3e: {  	_ =	shalt  }
0x3f: {  	_ =	shalt  }
0x40: {  	_ =	shalt  }
0x41: {  	_ =	shalt  }
0x42: {  	_ =	shalt  }
0x43: {  	_ =	shalt  }
0x44: {  	_ =	shalt  }
0x45: {  	_ =	shalt  }
0x46: {  	_ =	shalt  }
0x47: {  	_ =	shalt  }
0x48: {  	_ =	shalt  }
0x49: {  	_ =	shalt  }
0x4a: {  	_ =	shalt  }
0x4b: {  	_ =	shalt  }
0x4c: {  	_ =	shalt  }
0x4d: {  	_ =	shalt  }
0x4e: {  	_ =	shalt  }
0x4f: {  	_ =	shalt  }
0x50: {  	_ =	shalt  }
0x51: {  	_ =	shalt  }
0x52: {  	_ =	shalt  }
0x53: {  	_ =	shalt  }
0x54: {  	_ =	shalt  }
0x55: {  	_ =	shalt  }
0x56: {  	_ =	shalt  }
0x57: {  	_ =	shalt  }
0x58: {  	_ =	shalt  }
0x59: {  	_ =	shalt  }
0x5a: {  	_ =	shalt  }
0x5b: {  	_ =	shalt  }
0x5c: {  	_ =	shalt  }
0x5d: {  	_ =	shalt  }
0x5e: {  	_ =	shalt  }
0x5f: {  	_ =	shalt  }
0x60: {  	_ =	shalt  }
0x61: {  	_ =	shalt  }
0x62: {  	_ =	shalt  }
0x63: {  	_ =	shalt  }
0x64: {  	_ =	shalt  }
0x65: {  	_ =	shalt  }
0x66: {  	_ =	shalt  }
0x67: {  	_ =	shalt  }
0x68: {  	_ =	shalt  }
0x69: {  	_ =	shalt  }
0x6a: {  	_ =	shalt  }
0x6b: {  	_ =	shalt  }
0x6c: {  	_ =	shalt  }
0x6d: {  	_ =	shalt  }
0x6e: {  	_ =	shalt  }
0x6f: {  	_ =	shalt  }
0x70: {  	_ =	shalt  }
0x71: {  	_ =	shalt  }
0x72: {  	_ =	shalt  }
0x73: {  	_ =	shalt  }
0x74: {  	_ =	shalt  }
0x75: {  	_ =	shalt  }
0x76: {  	_ =	shalt  }
0x77: {  	_ =	shalt  }
0x78: {  	_ =	shalt  }
0x79: {  	_ =	shalt  }
0x7a: {  	_ =	shalt  }
0x7b: {  	_ =	shalt  }
0x7c: {  	_ =	shalt  }
0x7d: {  	_ =	shalt  }
0x7e: {  	_ =	shalt  }
0x7f: {  	_ =	shalt  }
0x80: {  	_ =	shalt  }
0x81: {  	_ =	shalt  }
0x82: {  	_ =	shalt  }
0x83: {  	_ =	shalt  }
0x84: {  	_ =	shalt  }
0x85: {  	_ =	shalt  }
0x86: {  	_ =	shalt  }
0x87: {  	_ =	shalt  }
.Lfunc_end0:
.L_simem_size_0:
called_computation_lowered:
.L_overlay_start_0:
0x88: {  	s2 =	sld [smem:$0x3FD9]  }
0x89: {  	s3 =	sld [smem:$0x3FFE];
	_ =	sdelay $0x1  }
0x8a: {  	s1 =	srdreg.scid  }
0x8b: {  	s0 =	sand.u32 $0x1, s1  }
0x8c: {  	s18 =	sshll.u32 s0, $0xA;
	s2 =	sadd.s32 s3, s2  }
0x8d: {  	s2 =	sadd.s32 s2, s18  }
0x8e: {  	[smem:$0x3FC7] =	sst s2  }
0x8f: {  	_ = 	snop  }
0x90: {  	s2 =	sld [smem:$0x3FC9]  }
0x91: {  	s19 =	sld [smem:$0x3FD0];
	(tm) =	ssettm $0x1  }
0x92: {  	s4 =	sld [smem:$0x3FFB];
	_ =	sdelay $0x3  }
0x93: {  	_ =	strace s4  }
0x94: {  	s4 =	sld [smem:$0x3FFC];
	_ =	sdelay $0x3  }
0x95: {  	_ =	strace s4  }
0x96: {  	s4 =	sld [smem:$0x3FFD];
	_ =	sdelay $0x3  }
0x97: {  	_ =	strace s4  }
0x98: {  	_ =	strace $0x8FFFFFFF  }
0x99: {  	s20 =	sld [smem:$0x3FDB];
	_ =	sdelay $0x1  }
0x9a: {  	s5 =	simm.s32 $_scs_section_size  }
0x9b: {  	s6 =	simm.s32 $_size__tile_overlayer_lowered;
	s7 =	simm.s32 $_tile_overlayer_lowered  }
0x9c: {  	s23 =	simm.s32 $0x1BFF;
	s22 =	sshll.u32 s7, $0x1;
	s4 =	sadd.s32 s5, s20  }
0x9d: {  	s8 =	simm.s32 $0x0;
	s21 =	sshll.u32 s6, $0x1;
	s6 =	sadd.s32 s22, s4  }
0x9e: {  	[timem:s8], [sflag:s23] =	dma.local [hbm:s6], s21  }
0x9f: {  	_ =	swait.ge [sflag:s23], s21  }
0xa0: {  	s5 =	ssub.s32 $0x0, s21;
	[sflag:s23] =	ssyncset.done $0x0  }
0xa1: {  	[sflag:s23] =	ssyncadd.s32 s5;
	_ =	sdelay $0x1  }
0xa2: {  	s24 =	simm.s32 $0x1B8B  }
0xa3: {  	_ =	swait.ge [sflag:s24], $0x1  }
0xa4: {  	[sflag:s24] =	ssyncset.done $0x0  }
0xa5: {  	s25 =	simm.s32 $0x1B8E;
	[sflag:s24] =	ssyncadd.s32 $0xFFFFFFFF  }
0xa6: {  	s26 =	simm.s32 $execute0_lowered;
	[smem:$0x3FD2] =	sst s25  }
0xa7: {  	s5 =	sshll.u32 s26, $0x1;
	_ =	strace $0x80000046;
	[dreg:$0x1] =	wrdreg $0xFFFFFFFF  }
0xa8: {  	s28 =	simm.s32 $_size_execute0_lowered;
	s4 =	sadd.s32 s4, s5;
	[dreg:$0x0] =	wrdreg $0x0  }
0xa9: {  	s5 =	sshll.u32 s28, $0x1;
	[dreg:$0x2] =	wrdreg s4  }
0xaa: {  	[dreg:$0x3] =	wrdreg s5  }
0xab: {  	[dreg:$0x4] =	wrdreg $0xC0  }
0xac: {  	_ =	task [dreg:s8], $0x5FFFF  }
0xad: {  	[dreg:$0x1] =	wrdreg $0xFFFFFFFF  }
0xae: {  	[dreg:$0x0] =	wrdreg $0x60  }
0xaf: {  	[dreg:$0x2] =	wrdreg s2  }
0xb0: {  	[dreg:$0x3] =	wrdreg s19  }
0xb1: {  	[dreg:$0x4] =	wrdreg $0x9  }
0xb2: {  	_ =	task.clear_ibuf [dreg:s8], $0x5FFFF;
	_ =	strace $0x90000046  }
0xb3: {  	s29 =	simm.s32 $0x9;
	_ =	strace $0x80000048  }
0xb4: {  	_ =	swait.ge [sflag:s29], $0x1  }
0xb5: {  	[sflag:s29] =	ssyncadd.s32 $0xFFFFFFFF  }
0xb6: {  	_ =	strace $0x90000048  }
0xb7: {  	_ =	sfence  }
0xb8: {  	s30 =	sld [smem:$0x0];
	_ =	sdelay $0x2  }
0xb9: {  	s31 =	sshll.u32 s1, $0xD;
	s1 =	sshrl.u32 s1, $0x2  }
0xba: {  	s3 =	sand.u32 $0x4000, s31;
	s1 =	sadd.s32 s1, s30  }
0xbb: {  	s0 =	sor.u32 s3, s0;
	s1 =	sshll.u32 s1, $0x11  }
0xbc: {  	s0 =	sor.u32 s1, s0  }
0xbd: {  	s0 =	sadd.s32 $0x8F2B, s0  }
0xbe: {  	[sflag:s0] =	ssyncadd.remote.s32 $0x1  }
0xbf: {  	_ =	sfence.sel $0xFFFF  }
0xc0: {  	[dreg:$0x0] =	wrdreg $0xFFFFFFFF;
	(pc) =	sbr.abs _section_cstart, $3  }
0xc1: {  	[dreg:$0x1] =	wrdreg $0xFFFFFFFF  }
0xc2: {  	_ =	task.clear_ibuf [dreg:s8], $0x2FFFF;
	_ =	strace $0x9FFFFFFF  }
0xc3: {  	(tm) =	ssettm $0x7FFFFFFF  }
tec
execute0_lowered:
.L_overlay_start_1:
0x0: {  	(tag) =	ssettag $0x1  }
0x1: {  	s11 =	rddreg [dreg:$0x0]  }
0x2: {  	s12 =	rddreg [dreg:$0x1];
	s1 =	srdreg.scid  }
0x3: {  	s0 =	rddreg [dreg:$0x2];
	s2 =	simm.s32 $0x0;
	s17 =	simm.s32 $0x2  }
0x4: {  	s18 =	simm.s32 $0x4;
	s19 =	simm.s32 $0x0;
	s3 =	sand.u32 $0x1, s1  }
0x5: {  	[smem:$0x7FF] =	sst s2;
	s1 =	stileid.u32;
	s4 =	ssub.s32 $0x2, s3  }
0x6: {  	s13 =	sshll.u32 s1, $0x11;
	s14 =	sshll.u32 s3, $0x10;
	_ =	strace $0x80000047  }
0x7: {  	s5 =	sshrl.u32 s4, $0x1;
	s7 =	sor.u32 s14, s13;
	s16 =	sadd.s32 s13, s12  }
0x8: {  	s13 =	sadd.s32 s13, s11;
	s5 =	ssub.s32 s4, s5;
	s3 =	sadd.s32 s11, s7  }
0x9: {  	s4 =	sadd.s32 s12, s7;
	s8 =	sor.u32 $0x1000, s7;
	s15 =	sor.u32 $0xF000, s7  }
0xa: {  	s13 =	sadd.s32 s14, s13;
	s5 =	smax.u32 s5, $0x1;
	s6 =	sadd.s32 s11, s8  }
0xb: {  	s7 =	sadd.s32 $0x2000, s3;
	s8 =	sadd.s32 s12, s8;
	s9 =	sadd.s32 s11, s15  }
0xc: {  	s10 =	sadd.s32 $0xE000, s4;
	s11 =	sadd.s32 s12, s15;
	s12 =	sadd.s32 s14, s16  }
0xd: {  	s14 =	simm.s32 $0x8000;
	s15 =	simm.s32 $0x1;
	s16 =	simm.s32 $0x3  }
.LBB2_1:
0xe: {  	[tilespmem:s2], [sflag:$0x1] =	stream.linear.gather [hbm4b:s3+s2], $0x8000, $0x38;
	[tilespmem:$0x10000] =	vst v63  }
0xf: {  	_ = 	snop  }
0x10: {  	[tilespmem:s14], [sflag:$0x2] =	stream.linear.gather [hbm4b:s6+s2], $0x8000, $0x38;
	[tilespmem:$0x10000] =	vst v63  }
0x11: {  	_ =	swait.ge [sflag:s15], $0x8000  }
0x12: {  	[sflag:s15] =	ssyncset.done $0x0  }
0x13: {  	[sflag:s15] =	ssyncadd.s32 $0xFFFF8000  }
0x14: {  	[hbm4b:s4+s2] =	stream.linear.scatter [tilespmem:s2], [sflag:$0x3], $0x8000, $0x38;
	[tilespmem:$0x10000] =	vst v63  }
0x15: {  	_ =	swait.ge [sflag:s16], $0x8000  }
0x16: {  	[sflag:s16] =	ssyncset.done $0x0  }
0x17: {  	[sflag:s16] =	ssyncadd.s32 $0xFFFF8000  }
0x18: {  	[tilespmem:s2], [sflag:$0x1] =	stream.linear.gather [hbm4b:s7+s2], $0x8000, $0x38;
	[tilespmem:$0x10000] =	vst v63  }
0x19: {  	_ =	swait.ge [sflag:s17], $0x8000  }
0x1a: {  	[sflag:s17] =	ssyncset.done $0x0  }
0x1b: {  	[sflag:s17] =	ssyncadd.s32 $0xFFFF8000  }
0x1c: {  	[hbm4b:s8+s2] =	stream.linear.scatter [tilespmem:s14], [sflag:$0x4], $0x8000, $0x38;
	[tilespmem:$0x10000] =	vst v63  }
0x1d: {  	_ =	swait.ge [sflag:s18], $0x8000  }
0x1e: {  	s20 =	sadd.s32 $0x0, s13;
	[sflag:s18] =	ssyncset.done $0x0  }
0x1f: {  	s21 =	sadd.s32 $0x3000, s20;
	[sflag:s18] =	ssyncadd.s32 $0xFFFF8000  }
0x20: {  	[tilespmem:s14], [sflag:$0x2] =	stream.linear.gather [hbm4b:s21+s2], $0x8000, $0x38;
	[tilespmem:$0x10000] =	vst v63  }
0x21: {  	_ =	swait.ge [sflag:s15], $0x8000  }
0x22: {  	s31 =	sadd.s32 $0x0, s12;
	[sflag:s15] =	ssyncset.done $0x0  }
0x23: {  	s22 =	sadd.s32 $0x2000, s31;
	[sflag:s15] =	ssyncadd.s32 $0xFFFF8000  }
0x24: {  	[hbm4b:s22+s2] =	stream.linear.scatter [tilespmem:s2], [sflag:$0x3], $0x8000, $0x38;
	[tilespmem:$0x10000] =	vst v63  }
0x25: {  	_ =	swait.ge [sflag:s16], $0x8000  }
0x26: {  	[sflag:s16] =	ssyncset.done $0x0  }
0x27: {  	s20 =	sadd.s32 $0x4000, s20;
	[sflag:s16] =	ssyncadd.s32 $0xFFFF8000  }
0x28: {  	[tilespmem:s2], [sflag:$0x1] =	stream.linear.gather [hbm4b:s20+s2], $0x8000, $0x38;
	[tilespmem:$0x10000] =	vst v63  }
0x29: {  	_ =	swait.ge [sflag:s17], $0x8000  }
0x2a: {  	[sflag:s17] =	ssyncset.done $0x0  }
0x2b: {  	s21 =	sadd.s32 $0x3000, s31;
	s20 =	simm.s32 $0x2000;
	[sflag:s17] =	ssyncadd.s32 $0xFFFF8000  }
.LBB2_2:
0x2c: {  	[hbm4b:s21+s2] =	stream.linear.scatter [tilespmem:s14], [sflag:$0x4], $0x8000, $0x38;
	[tilespmem:$0x10000] =	vst v63  }
0x2d: {  	s21 =	smov.u32 s20  }
0x2e: {  	p0 =	sne.s32 s20, $0xA000;
	s20 =	sadd.s32 $0x2000, s20;
	_ =	swait.ge [sflag:s18], $0x8000  }
0x2f: {  	s22 =	sadd.s32 s21, s13;
	[sflag:s18] =	ssyncset.done $0x0  }
0x30: {  	s23 =	sadd.s32 $0x3000, s22;
	[sflag:s18] =	ssyncadd.s32 $0xFFFF8000  }
0x31: {  	[tilespmem:s14], [sflag:$0x2] =	stream.linear.gather [hbm4b:s23+s2], $0x8000, $0x38;
	[tilespmem:$0x10000] =	vst v63  }
0x32: {  	_ =	swait.ge [sflag:s15], $0x8000  }
0x33: {  	s21 =	sadd.s32 s21, s12;
	[sflag:s15] =	ssyncset.done $0x0  }
0x34: {  	s23 =	sadd.s32 $0x2000, s21;
	[sflag:s15] =	ssyncadd.s32 $0xFFFF8000  }
0x35: {  	[hbm4b:s23+s2] =	stream.linear.scatter [tilespmem:s2], [sflag:$0x3], $0x8000, $0x38;
	[tilespmem:$0x10000] =	vst v63  }
0x36: {  	_ =	swait.ge [sflag:s16], $0x8000  }
0x37: {  	[sflag:s16] =	ssyncset.done $0x0  }
.Ltmp0:
0x38: {  	s22 =	sadd.s32 $0x4000, s22;
	[sflag:s16] =	ssyncadd.s32 $0xFFFF8000;
	(pc) =	sbr.rel @p0 .LBB2_2-.Ltmp0, $4  }
0x39: {  	[tilespmem:s2], [sflag:$0x1] =	stream.linear.gather [hbm4b:s22+s2], $0x8000, $0x38;
	[tilespmem:$0x10000] =	vst v63  }
0x3a: {  	_ =	swait.ge [sflag:s17], $0x8000  }
0x3b: {  	[sflag:s17] =	ssyncset.done $0x0  }
0x3c: {  	s21 =	sadd.s32 $0x3000, s21;
	[sflag:s17] =	ssyncadd.s32 $0xFFFF8000  }
0x3d: {  	[hbm4b:s21+s2] =	stream.linear.scatter [tilespmem:s14], [sflag:$0x4], $0x8000, $0x38;
	[tilespmem:$0x10000] =	vst v63  }
0x3e: {  	_ =	swait.ge [sflag:s18], $0x8000  }
0x3f: {  	[sflag:s18] =	ssyncset.done $0x0  }
0x40: {  	[sflag:s18] =	ssyncadd.s32 $0xFFFF8000  }
0x41: {  	[tilespmem:s14], [sflag:$0x2] =	stream.linear.gather [hbm4b:s9+s2], $0x8000, $0x38;
	[tilespmem:$0x10000] =	vst v63  }
0x42: {  	_ =	swait.ge [sflag:s15], $0x8000  }
0x43: {  	[sflag:s15] =	ssyncset.done $0x0  }
0x44: {  	[sflag:s15] =	ssyncadd.s32 $0xFFFF8000  }
0x45: {  	[hbm4b:s10+s2] =	stream.linear.scatter [tilespmem:s2], [sflag:$0x3], $0x8000, $0x38;
	[tilespmem:$0x10000] =	vst v63  }
0x46: {  	_ =	swait.ge [sflag:s17], $0x8000  }
0x47: {  	[sflag:s17] =	ssyncset.done $0x0  }
0x48: {  	s19 =	sadd.s32 $0x1, s19;
	[sflag:s17] =	ssyncadd.s32 $0xFFFF8000  }
0x49: {  	[hbm4b:s11+s2] =	stream.linear.scatter [tilespmem:s14], [sflag:$0x4], $0x8000, $0x38;
	[tilespmem:$0x10000] =	vst v63  }
0x4a: {  	p0 =	sne.s32 s19, s5;
	_ =	swait.ge [sflag:s16], $0x8000  }
.Ltmp1:
0x4b: {  	[sflag:s16] =	ssyncset.done $0x0;
	(pc) =	sbr.rel @p0 .LBB2_1-.Ltmp1, $4  }
0x4c: {  	[sflag:s16] =	ssyncadd.s32 $0xFFFF8000  }
0x4d: {  	_ =	swait.ge [sflag:s18], $0x8000  }
0x4e: {  	[sflag:s18] =	ssyncset.done $0x0  }
0x4f: {  	[sflag:s18] =	ssyncadd.s32 $0xFFFF8000  }
0x50: {  	_ =	sfence.sel $0x180000  }
0x51: {  	[bflag:$0x0] =	sbarrier.arrive $0xFFFF  }
0x52: {  	p0 =	sne.s32 s1, $0x0;
	_ =	strace $0x90000047  }
0x53: {  	s0 =	sadd.s32 @!p0 $0x100000, s0;
	[bflag:$0x2] =	sbarrier.arrive $0xFFFF  }
0x54: {  	[sflag:s0] =	ssyncadd.tile.s32 @!p0 $0x1;
	_ =	shalt  }
.Lfunc_end2:
_tile_overlayer_lowered:
.L_overlay_start_2:
0x55: {  	(tag) =	ssettag $0x2  }
0x56: {  	s0 =	rddreg [dreg:$0x0];
	s2 =	stileid.u32  }
0x57: {  	s1 =	rddreg [dreg:$0x1];
	p0 =	sne.s32 s2, $0x0  }
0x58: {  	s3 =	rddreg [dreg:$0x2];
	[bflag:$0x3] =	sbarrier.arrive $0xFFFF;
	s2 =	simm.s32 @!p0 $0x1C05  }
0x59: {  	[timem:s3], [sflag:s2] =	dma.local @!p0 [hbm:s0], s1  }
0x5a: {  	s0 =	simm.s32 @!p0 $0x5  }
0x5b: {  	_ =	swait.ge @!p0 [sflag:s0], s1  }
0x5c: {  	s1 =	ssub.s32 @!p0 $0x0, s1;
	[sflag:s0] =	ssyncset.done @!p0 $0x0  }
0x5d: {  	[sflag:s0] =	ssyncadd.s32 @!p0 s1  }
0x5e: {  	[bflag:$0x3] =	sbarrier.arrive $0xFFFF  }
0x5f: {  	_ =	shalt  }

</sc_bundles>
